<compile_context>
chip_gen: v7x
topology: tpu7x:2x2x1
jax: 0.10.2.dev20260603
libtpu: 0.0.44.dev20260713+nightly
codegen_flags: <defaults>
</compile_context>

<pallas_src>
import jax
import jax.numpy as jnp
from jax.experimental import pallas as pl
from jax.experimental.pallas import tpu as pltpu

B, L, N = 4, 3, 2048
D = 1024
H = 4096
E = 3
S = B * L * N
TPB = L * N
CAP = S // E
TBLK = 2048
NBLK = S // TBLK
BPB = TPB // TBLK


def _cumsum_rows(a):
    n = a.shape[0]
    k = 1
    while k < n:
        shifted = jnp.concatenate(
            [jnp.zeros((k, a.shape[1]), a.dtype), a[:-k, :]], axis=0)
        a = a + shifted
        k *= 2
    return a


def _pass1_body(x_ref, wg_ref, s_ref, st_ref):
    i = pl.program_id(0)

    @pl.when(i == 0)
    def _init():
        s_ref[...] = jnp.zeros_like(s_ref)
        st_ref[...] = jnp.zeros_like(st_ref)

    x = x_ref[...]
    wg = wg_ref[...]
    logits = jnp.dot(x, wg, preferred_element_type=jnp.float32)
    mx = jnp.max(logits, axis=1, keepdims=True)
    ex = jnp.exp(logits - mx)
    den = jnp.sum(ex, axis=1, keepdims=True)
    probs = ex / den
    pmax = jnp.max(probs, axis=1, keepdims=True)
    cols = jax.lax.broadcasted_iota(jnp.int32, (TBLK, E), 1)
    eidx = jnp.min(jnp.where(probs >= pmax, cols, E), axis=1, keepdims=True)
    onehot = (cols == eidx).astype(jnp.float32)

    carry = st_ref[1:2, 0:E]
    csum = _cumsum_rows(onehot)
    pos = jnp.sum(onehot * (csum - 1.0 + carry), axis=1, keepdims=True)
    keep = (pos < float(CAP)).astype(jnp.float32)
    gk = pmax * keep

    b = i // BPB
    cols16 = jax.lax.broadcasted_iota(jnp.int32, (TBLK, 16), 1)
    w_full = jnp.where(cols16 == (eidx * B + b), gk, 0.0)
    s_ref[...] += jax.lax.dot_general(
        w_full, x, (((0,), (0,)), ((), ())),
        preferred_element_type=jnp.float32)

    st_ref[0:1, 0:E] += jnp.sum(probs, axis=0, keepdims=True)
    st_ref[1:2, 0:E] += csum[TBLK - 1:TBLK, :]
    st_ref[pl.ds(4 + b, 1), 0:E] += jnp.sum(onehot * gk, axis=0, keepdims=True)


def _finalize_body(s_ref, st_ref, we_ref, be_ref, wp_ref, bp_ref, mask_ref,
                   pooled_ref, aux_ref):
    s = s_ref[...]
    acc = jnp.zeros((B, D), jnp.float32)
    for e in range(E):
        acc += jnp.dot(s[e * B:(e + 1) * B, :], we_ref[e, :, :],
                       preferred_element_type=jnp.float32)
    acc += jnp.dot(st_ref[4:8, 0:E], be_ref[...],
                   preferred_element_type=jnp.float32)
    py = jnp.dot(acc, wp_ref[...], preferred_element_type=jnp.float32)
    py = py + float(TPB) * bp_ref[...]
    valid = float(TPB) - jnp.sum(mask_ref[...], axis=1, keepdims=True)
    cnt = jnp.maximum(valid, 1.0)
    pooled_ref[...] = py / cnt
    probsum = st_ref[0:1, 0:E]
    cnts = st_ref[1:2, 0:E]
    aux = (float(E) / (float(S) * float(S))) * jnp.sum(probsum * cnts)
    aux_ref[...] = jnp.full((1, 1), aux, jnp.float32)


def kernel(tensors, mask, Wg, We, be, Wp, bp):
    x = jnp.transpose(tensors, (0, 2, 1, 3)).reshape(S, D)
    maskf = mask.reshape(B, TPB).astype(jnp.float32)
    s, st = pl.pallas_call(
        _pass1_body,
        grid=(NBLK,),
        in_specs=[pl.BlockSpec((TBLK, D), lambda i: (i, 0)),
                  pl.BlockSpec((D, E), lambda i: (0, 0))],
        out_specs=[pl.BlockSpec((16, D), lambda i: (0, 0)),
                   pl.BlockSpec((8, 128), lambda i: (0, 0))],
        out_shape=[jax.ShapeDtypeStruct((16, D), jnp.float32),
                   jax.ShapeDtypeStruct((8, 128), jnp.float32)],
        compiler_params=pltpu.CompilerParams(
            dimension_semantics=("arbitrary",)),
    )(x, Wg)
    pooled, aux = pl.pallas_call(
        _finalize_body,
        in_specs=[pl.BlockSpec((16, D), lambda: (0, 0)),
                  pl.BlockSpec((8, 128), lambda: (0, 0)),
                  pl.BlockSpec((E, D, D), lambda: (0, 0, 0)),
                  pl.BlockSpec((E, D), lambda: (0, 0)),
                  pl.BlockSpec((D, H), lambda: (0, 0)),
                  pl.BlockSpec((1, H), lambda: (0, 0)),
                  pl.BlockSpec((B, TPB), lambda: (0, 0))],
        out_specs=[pl.BlockSpec((B, H), lambda: (0, 0)),
                   pl.BlockSpec((1, 1), lambda: (0, 0))],
        out_shape=[jax.ShapeDtypeStruct((B, H), jnp.float32),
                   jax.ShapeDtypeStruct((1, 1), jnp.float32)],
    )(s, st, We, be, Wp, bp.reshape(1, H), maskf)
    return pooled, aux[0, 0]

# --- scband reference (transcript-rebuilt; emitter-appended) ---
"""Pipeline reference for scband-type1-mo-eprojector-6227702579639 (READ-ONLY COPY).

The authoritative reference and input builder live on the scoring server;
editing this copy changes nothing except your own understanding.
"""

import jax, jax.numpy as jnp
import numpy as np

B, L, N = 4, 3, 2048
MM_HIDDEN = 1024
HIDDEN = 4096
NUM_EXPERTS = 3
CAP_FACTOR = 1.0


def setup_inputs(seed: int = 0) -> dict:
    key = jax.random.key(seed)
    ks = jax.random.split(key, 6)
    tensors = jax.random.normal(ks[0], (B, L, N, MM_HIDDEN), dtype=jnp.float32)
    mask = jnp.zeros((B, L, N), dtype=bool)  # True = padded; all-valid here
    Wg = jax.random.normal(ks[1], (MM_HIDDEN, NUM_EXPERTS), dtype=jnp.float32) * (MM_HIDDEN ** -0.5)
    We = jax.random.normal(ks[2], (NUM_EXPERTS, MM_HIDDEN, MM_HIDDEN), dtype=jnp.float32) * (MM_HIDDEN ** -0.5)
    be = jnp.zeros((NUM_EXPERTS, MM_HIDDEN), dtype=jnp.float32)
    Wp = jax.random.normal(ks[3], (MM_HIDDEN, HIDDEN), dtype=jnp.float32) * (MM_HIDDEN ** -0.5)
    bp = jnp.zeros((HIDDEN,), dtype=jnp.float32)
    return {"tensors": tensors, "mask": mask, "Wg": Wg, "We": We, "be": be, "Wp": Wp, "bp": bp}


def _moe_top1(x, Wg, We, be):
    # deepspeed-style top-1 gated MoE with capacity (k=1, capacity_factor=1)
    S, D = x.shape
    E = NUM_EXPERTS
    C = int(S * CAP_FACTOR / E)
    logits = x @ Wg
    probs = jax.nn.softmax(logits, axis=-1)
    expert_idx = jnp.argmax(probs, axis=-1)
    onehot = jax.nn.one_hot(expert_idx, E, dtype=x.dtype)
    me = probs.mean(axis=0)
    ce = onehot.mean(axis=0)
    aux_loss = jnp.float32(E) * jnp.sum(me * ce)
    # position of each token within its expert's buffer
    pos = jnp.sum((jnp.cumsum(onehot, axis=0) - 1.0) * onehot, axis=-1).astype(jnp.int32)
    keep = (pos < C).astype(x.dtype)  # drop tokens past capacity
    gate_val = jnp.sum(probs * onehot, axis=-1) * keep
    pos_c = jnp.clip(pos, 0, C - 1)
    buf = jnp.zeros((E, C, D), dtype=x.dtype)
    buf = buf.at[expert_idx, pos_c].add(x * keep[:, None])  # scatter-add dispatch
    out_buf = jnp.einsum('ecd,edf->ecf', buf, We) + be[:, None, :]  # expert FFN
    y = out_buf[expert_idx, pos_c] * gate_val[:, None]  # gather combine
    return y, aux_loss


def reference(tensors, mask, Wg, We, be, Wp, bp):
    B_, L_, N_, D = tensors.shape
    # Type1MoE: permute(0,2,1,3).reshape(B*N, L, D) then MoE over flattened tokens
    x = jnp.transpose(tensors, (0, 2, 1, 3)).reshape(B_ * N_ * L_, D)
    y, aux_loss = _moe_top1(x, Wg, We, be)
    y = jnp.transpose(y.reshape(B_, N_, L_, D), (0, 2, 1, 3))  # back to (B, L, N, D)
    # GAPHead: project then masked mean pool (sum over ALL tokens, divide by non-masked count)
    proj = y @ Wp + bp
    t = proj.reshape(B_, L_ * N_, HIDDEN)
    m = mask.reshape(B_, L_ * N_)
    not_m = ~m
    sum_features = t.sum(axis=1)
    count = jnp.clip(not_m.sum(axis=1, keepdims=True), 1, None).astype(t.dtype)
    pooled = sum_features / count
    return (pooled, aux_loss)

if __name__ == "__main__":
    import jax
    _d = setup_inputs()
    print(jax.jit(kernel)(*tuple(_d.values())))

</pallas_src>

<mosaic_0001>
module attributes {stable_mosaic.version = 14 : i64} {
  func.func @_pass1_body(%arg0: i32, %arg1: memref<2048x1024xf32, #tpu.memory_space<vmem>>, %arg2: memref<1024x3xf32, #tpu.memory_space<vmem>>, %arg3: memref<16x1024xf32, #tpu.memory_space<vmem>>, %arg4: memref<8x128xf32, #tpu.memory_space<vmem>>) attributes {dimension_semantics = [#tpu.dimension_semantics<arbitrary>], iteration_bounds = array<i64: 12>, scalar_prefetch = 0 : i64, scratch_operands = 0 : i64, tpu.core_type = #tpu.core_type<tc>, window_params = [{transform_indices = @transform_0, window_bounds = array<i64: 2048, 1024>}, {pipeline_mode = #tpu.pipeline_mode<synchronous>, transform_indices = @transform_1, window_bounds = array<i64: 1024, 3>}, {pipeline_mode = #tpu.pipeline_mode<synchronous>, transform_indices = @transform_2, window_bounds = array<i64: 16, 1024>}, {pipeline_mode = #tpu.pipeline_mode<synchronous>, transform_indices = @transform_3, window_bounds = array<i64: 8, 128>}]} {
    %eq3A = arith.constant 0 : i32
    %eq3A_0 = arith.cmpi eq, %arg0, %eq3A : i32
    %convert_element_type3A = arith.extui %eq3A_0 : i1 to i32
    %cond3A = arith.constant 0 : i32
    %cond3A_1 = arith.cmpi ne, %convert_element_type3A, %cond3A : i32
    scf.if %cond3A_1 {
      %broadcast_in_dim3A_165 = arith.constant 0.000000e+00 : f32
      %broadcast_in_dim3A_166 = vector.broadcast %broadcast_in_dim3A_165 : f32 to vector<16x1024xf32>
      %swap3A_167 = arith.constant 0 : index
      %swap3A_168 = arith.constant 0 : index
      %swap3A_169 = vector.load %arg3[%swap3A_167, %swap3A_168] : memref<16x1024xf32, #tpu.memory_space<vmem>>, vector<16x1024xf32>
      tpu.vector_store %arg3[%swap3A_167, %swap3A_168], %broadcast_in_dim3A_166 {strides = array<i32>} : memref<16x1024xf32, #tpu.memory_space<vmem>>, vector<16x1024xf32>,
      %broadcast_in_dim3A_170 = arith.constant 0.000000e+00 : f32
      %broadcast_in_dim3A_171 = vector.broadcast %broadcast_in_dim3A_170 : f32 to vector<8x128xf32>
      %swap3A_172 = arith.constant 0 : index
      %swap3A_173 = arith.constant 0 : index
      %swap3A_174 = vector.load %arg4[%swap3A_172, %swap3A_173] : memref<8x128xf32, #tpu.memory_space<vmem>>, vector<8x128xf32>
      tpu.vector_store %arg4[%swap3A_172, %swap3A_173], %broadcast_in_dim3A_171 {strides = array<i32>} : memref<8x128xf32, #tpu.memory_space<vmem>>, vector<8x128xf32>,
    } else {
    }
    %get3A = arith.constant 0 : index
    %get3A_2 = arith.constant 0 : index
    %get3A_3 = vector.load %arg1[%get3A, %get3A_2] : memref<2048x1024xf32, #tpu.memory_space<vmem>>, vector<2048x1024xf32>
    %get3A_4 = arith.constant 0 : index
    %get3A_5 = arith.constant 0 : index
    %get3A_6 = vector.load %arg2[%get3A_4, %get3A_5] : memref<1024x3xf32, #tpu.memory_space<vmem>>, vector<1024x3xf32>
    %dot_general3A = arith.constant dense<0.000000e+00> : vector<2048x3xf32>
    %dot_general3A_7 = tpu.matmul %get3A_3, %get3A_6, %dot_general3A {dimension_numbers = #tpu.dot_dimension_numbers<[1], [0], [0], [1], [0, 0, 1, 1], [], []>, transpose_lhs_hint = false} : vector<2048x1024xf32>, vector<1024x3xf32>, vector<2048x3xf32> -> vector<2048x3xf32>
    %reduce_max3A = arith.constant dense<0xFF800000> : vector<2048xf32>
    %reduce_max3A_8 = vector.multi_reduction <maximumf>, %dot_general3A_7, %reduce_max3A [1] : vector<2048x3xf32> to vector<2048xf32>
    %broadcast_in_dim3A = vector.shape_cast %reduce_max3A_8 : vector<2048xf32> to vector<2048x1xf32>
    %sub3A = vector.broadcast %broadcast_in_dim3A : vector<2048x1xf32> to vector<2048x3xf32>
    %sub3A_9 = arith.subf %dot_general3A_7, %sub3A : vector<2048x3xf32>
    %exp3A = math.exp %sub3A_9 : vector<2048x3xf32>
    %reduce_sum3A = arith.constant dense<0.000000e+00> : vector<2048xf32>
    %reduce_sum3A_10 = vector.multi_reduction <add>, %exp3A, %reduce_sum3A [1] : vector<2048x3xf32> to vector<2048xf32>
    %broadcast_in_dim3A_11 = vector.shape_cast %reduce_sum3A_10 : vector<2048xf32> to vector<2048x1xf32>
    %div3A = vector.broadcast %broadcast_in_dim3A_11 : vector<2048x1xf32> to vector<2048x3xf32>
    %div3A_12 = arith.divf %exp3A, %div3A : vector<2048x3xf32>
    %reduce_max3A_13 = arith.constant dense<0xFF800000> : vector<2048xf32>
    %reduce_max3A_14 = vector.multi_reduction <maximumf>, %div3A_12, %reduce_max3A_13 [1] : vector<2048x3xf32> to vector<2048xf32>
    %broadcast_in_dim3A_15 = vector.shape_cast %reduce_max3A_14 : vector<2048xf32> to vector<2048x1xf32>
    %iota3A = tpu.iota {dimensions = array<i32: 1>} : vector<2048x3xi32>
    %ge3A = vector.broadcast %broadcast_in_dim3A_15 : vector<2048x1xf32> to vector<2048x3xf32>
    %ge3A_16 = arith.cmpf oge, %div3A_12, %ge3A : vector<2048x3xf32>
    %jit3A = arith.constant 3 : i32
    %broadcast_in_dim3A_17 = vector.broadcast %jit3A : i32 to vector<2048x3xi32>
    %select_n3A = arith.select %ge3A_16, %iota3A, %broadcast_in_dim3A_17 : vector<2048x3xi1>, vector<2048x3xi32>
    %reduce_min3A = arith.constant dense<2147483647> : vector<2048xi32>
    %reduce_min3A_18 = vector.multi_reduction <minsi>, %select_n3A, %reduce_min3A [1] : vector<2048x3xi32> to vector<2048xi32>
    %broadcast_in_dim3A_19 = vector.shape_cast %reduce_min3A_18 : vector<2048xi32> to vector<2048x1xi32>
    %eq3A_20 = vector.broadcast %broadcast_in_dim3A_19 : vector<2048x1xi32> to vector<2048x3xi32>
    %eq3A_21 = arith.cmpi eq, %iota3A, %eq3A_20 : vector<2048x3xi32>
    %convert_element_type3A_22 = arith.extui %eq3A_21 : vector<2048x3xi1> to vector<2048x3xi32>
    %convert_element_type3A_23 = arith.sitofp %convert_element_type3A_22 : vector<2048x3xi32> to vector<2048x3xf32>
    %get3A_24 = arith.constant 1 : index
    %get3A_25 = arith.constant 0 : index
    %get3A_26 = vector.load %arg4[%get3A_24, %get3A_25] : memref<8x128xf32, #tpu.memory_space<vmem>>, vector<1x3xf32>
    %broadcast_in_dim3A_27 = arith.constant 0.000000e+00 : f32
    %broadcast_in_dim3A_28 = vector.broadcast %broadcast_in_dim3A_27 : f32 to vector<1x3xf32>
    %slice3A = vector.extract_strided_slice %convert_element_type3A_23 {offsets = [0, 0], sizes = [2047, 3], strides = [1, 1]} : vector<2048x3xf32> to vector<2047x3xf32>
    %concatenate3A = tpu.concatenate %broadcast_in_dim3A_28, %slice3A in 0 : vector<1x3xf32>, vector<2047x3xf32> -> vector<2048x3xf32>
    %add3A = arith.addf %convert_element_type3A_23, %concatenate3A : vector<2048x3xf32>
    %broadcast_in_dim3A_29 = arith.constant 0.000000e+00 : f32
    %broadcast_in_dim3A_30 = vector.broadcast %broadcast_in_dim3A_29 : f32 to vector<2x3xf32>
    %slice3A_31 = vector.extract_strided_slice %add3A {offsets = [0, 0], sizes = [2046, 3], strides = [1, 1]} : vector<2048x3xf32> to vector<2046x3xf32>
    %concatenate3A_32 = tpu.concatenate %broadcast_in_dim3A_30, %slice3A_31 in 0 : vector<2x3xf32>, vector<2046x3xf32> -> vector<2048x3xf32>
    %add3A_33 = arith.addf %add3A, %concatenate3A_32 : vector<2048x3xf32>
    %broadcast_in_dim3A_34 = arith.constant 0.000000e+00 : f32
    %broadcast_in_dim3A_35 = vector.broadcast %broadcast_in_dim3A_34 : f32 to vector<4x3xf32>
    %slice3A_36 = vector.extract_strided_slice %add3A_33 {offsets = [0, 0], sizes = [2044, 3], strides = [1, 1]} : vector<2048x3xf32> to vector<2044x3xf32>
    %concatenate3A_37 = tpu.concatenate %broadcast_in_dim3A_35, %slice3A_36 in 0 : vector<4x3xf32>, vector<2044x3xf32> -> vector<2048x3xf32>
    %add3A_38 = arith.addf %add3A_33, %concatenate3A_37 : vector<2048x3xf32>
    %broadcast_in_dim3A_39 = arith.constant 0.000000e+00 : f32
    %broadcast_in_dim3A_40 = vector.broadcast %broadcast_in_dim3A_39 : f32 to vector<8x3xf32>
    %slice3A_41 = vector.extract_strided_slice %add3A_38 {offsets = [0, 0], sizes = [2040, 3], strides = [1, 1]} : vector<2048x3xf32> to vector<2040x3xf32>
    %concatenate3A_42 = tpu.concatenate %broadcast_in_dim3A_40, %slice3A_41 in 0 : vector<8x3xf32>, vector<2040x3xf32> -> vector<2048x3xf32>
    %add3A_43 = arith.addf %add3A_38, %concatenate3A_42 : vector<2048x3xf32>
    %broadcast_in_dim3A_44 = arith.constant 0.000000e+00 : f32
    %broadcast_in_dim3A_45 = vector.broadcast %broadcast_in_dim3A_44 : f32 to vector<16x3xf32>
    %slice3A_46 = vector.extract_strided_slice %add3A_43 {offsets = [0, 0], sizes = [2032, 3], strides = [1, 1]} : vector<2048x3xf32> to vector<2032x3xf32>
    %concatenate3A_47 = tpu.concatenate %broadcast_in_dim3A_45, %slice3A_46 in 0 : vector<16x3xf32>, vector<2032x3xf32> -> vector<2048x3xf32>
    %add3A_48 = arith.addf %add3A_43, %concatenate3A_47 : vector<2048x3xf32>
    %broadcast_in_dim3A_49 = arith.constant 0.000000e+00 : f32
    %broadcast_in_dim3A_50 = vector.broadcast %broadcast_in_dim3A_49 : f32 to vector<32x3xf32>
    %slice3A_51 = vector.extract_strided_slice %add3A_48 {offsets = [0, 0], sizes = [2016, 3], strides = [1, 1]} : vector<2048x3xf32> to vector<2016x3xf32>
    %concatenate3A_52 = tpu.concatenate %broadcast_in_dim3A_50, %slice3A_51 in 0 : vector<32x3xf32>, vector<2016x3xf32> -> vector<2048x3xf32>
    %add3A_53 = arith.addf %add3A_48, %concatenate3A_52 : vector<2048x3xf32>
    %broadcast_in_dim3A_54 = arith.constant 0.000000e+00 : f32
    %broadcast_in_dim3A_55 = vector.broadcast %broadcast_in_dim3A_54 : f32 to vector<64x3xf32>
    %slice3A_56 = vector.extract_strided_slice %add3A_53 {offsets = [0, 0], sizes = [1984, 3], strides = [1, 1]} : vector<2048x3xf32> to vector<1984x3xf32>
    %concatenate3A_57 = tpu.concatenate %broadcast_in_dim3A_55, %slice3A_56 in 0 : vector<64x3xf32>, vector<1984x3xf32> -> vector<2048x3xf32>
    %add3A_58 = arith.addf %add3A_53, %concatenate3A_57 : vector<2048x3xf32>
    %broadcast_in_dim3A_59 = arith.constant 0.000000e+00 : f32
    %broadcast_in_dim3A_60 = vector.broadcast %broadcast_in_dim3A_59 : f32 to vector<128x3xf32>
    %slice3A_61 = vector.extract_strided_slice %add3A_58 {offsets = [0, 0], sizes = [1920, 3], strides = [1, 1]} : vector<2048x3xf32> to vector<1920x3xf32>
    %concatenate3A_62 = tpu.concatenate %broadcast_in_dim3A_60, %slice3A_61 in 0 : vector<128x3xf32>, vector<1920x3xf32> -> vector<2048x3xf32>
    %add3A_63 = arith.addf %add3A_58, %concatenate3A_62 : vector<2048x3xf32>
    %broadcast_in_dim3A_64 = arith.constant 0.000000e+00 : f32
    %broadcast_in_dim3A_65 = vector.broadcast %broadcast_in_dim3A_64 : f32 to vector<256x3xf32>
    %slice3A_66 = vector.extract_strided_slice %add3A_63 {offsets = [0, 0], sizes = [1792, 3], strides = [1, 1]} : vector<2048x3xf32> to vector<1792x3xf32>
    %concatenate3A_67 = tpu.concatenate %broadcast_in_dim3A_65, %slice3A_66 in 0 : vector<256x3xf32>, vector<1792x3xf32> -> vector<2048x3xf32>
    %add3A_68 = arith.addf %add3A_63, %concatenate3A_67 : vector<2048x3xf32>
    %broadcast_in_dim3A_69 = arith.constant 0.000000e+00 : f32
    %broadcast_in_dim3A_70 = vector.broadcast %broadcast_in_dim3A_69 : f32 to vector<512x3xf32>
    %slice3A_71 = vector.extract_strided_slice %add3A_68 {offsets = [0, 0], sizes = [1536, 3], strides = [1, 1]} : vector<2048x3xf32> to vector<1536x3xf32>
    %concatenate3A_72 = tpu.concatenate %broadcast_in_dim3A_70, %slice3A_71 in 0 : vector<512x3xf32>, vector<1536x3xf32> -> vector<2048x3xf32>
    %add3A_73 = arith.addf %add3A_68, %concatenate3A_72 : vector<2048x3xf32>
    %broadcast_in_dim3A_74 = arith.constant 0.000000e+00 : f32
    %broadcast_in_dim3A_75 = vector.broadcast %broadcast_in_dim3A_74 : f32 to vector<1024x3xf32>
    %slice3A_76 = vector.extract_strided_slice %add3A_73 {offsets = [0, 0], sizes = [1024, 3], strides = [1, 1]} : vector<2048x3xf32> to vector<1024x3xf32>
    %concatenate3A_77 = tpu.concatenate %broadcast_in_dim3A_75, %slice3A_76 in 0 : vector<1024x3xf32>, vector<1024x3xf32> -> vector<2048x3xf32>
    %add3A_78 = arith.addf %add3A_73, %concatenate3A_77 : vector<2048x3xf32>
    %sub3A_79 = arith.constant 1.000000e+00 : f32
    %sub3A_80 = vector.broadcast %sub3A_79 : f32 to vector<2048x3xf32>
    %sub3A_81 = arith.subf %add3A_78, %sub3A_80 : vector<2048x3xf32>
    %add3A_82 = vector.broadcast %get3A_26 : vector<1x3xf32> to vector<2048x3xf32>
    %add3A_83 = arith.addf %sub3A_81, %add3A_82 : vector<2048x3xf32>
    %mul3A = arith.mulf %convert_element_type3A_23, %add3A_83 : vector<2048x3xf32>
    %reduce_sum3A_84 = arith.constant dense<0.000000e+00> : vector<2048xf32>
    %reduce_sum3A_85 = vector.multi_reduction <add>, %mul3A, %reduce_sum3A_84 [1] : vector<2048x3xf32> to vector<2048xf32>
    %broadcast_in_dim3A_86 = vector.shape_cast %reduce_sum3A_85 : vector<2048xf32> to vector<2048x1xf32>
    %lt3A = arith.constant 8.192000e+03 : f32
    %lt3A_87 = vector.broadcast %lt3A : f32 to vector<2048x1xf32>
    %lt3A_88 = arith.cmpf olt, %broadcast_in_dim3A_86, %lt3A_87 : vector<2048x1xf32>
    %convert_element_type3A_89 = arith.extui %lt3A_88 : vector<2048x1xi1> to vector<2048x1xi32>
    %convert_element_type3A_90 = arith.sitofp %convert_element_type3A_89 : vector<2048x1xi32> to vector<2048x1xf32>
    %mul3A_91 = arith.mulf %broadcast_in_dim3A_15, %convert_element_type3A_90 : vector<2048x1xf32>
    %jit3A_92 = arith.constant 3 : i32
    %div3A_93 = arith.divsi %arg0, %jit3A_92 : i32
    %sign3A = arith.constant 0 : i32
    %sign3A_94 = arith.cmpi sgt, %arg0, %sign3A : i32
    %sign3A_95 = arith.extui %sign3A_94 : i1 to i32
    %sign3A_96 = arith.constant 0 : i32
    %sign3A_97 = arith.cmpi slt, %arg0, %sign3A_96 : i32
    %sign3A_98 = arith.extui %sign3A_97 : i1 to i32
    %sign3A_99 = arith.subi %sign3A_95, %sign3A_98 : i32
    %sign3A_100 = arith.constant 0 : i32
    %sign3A_101 = arith.cmpi sgt, %jit3A_92, %sign3A_100 : i32
    %sign3A_102 = arith.extui %sign3A_101 : i1 to i32
    %sign3A_103 = arith.constant 0 : i32
    %sign3A_104 = arith.cmpi slt, %jit3A_92, %sign3A_103 : i32
    %sign3A_105 = arith.extui %sign3A_104 : i1 to i32
    %sign3A_106 = arith.subi %sign3A_102, %sign3A_105 : i32
    %ne3A = arith.cmpi ne, %sign3A_99, %sign3A_106 : i32
    %rem3A = arith.remsi %arg0, %jit3A_92 : i32
    %ne3A_107 = arith.constant 0 : i32
    %ne3A_108 = arith.cmpi ne, %rem3A, %ne3A_107 : i32
    %and3A = arith.andi %ne3A, %ne3A_108 : i1
    %sub3A_109 = arith.constant 1 : i32
    %sub3A_110 = arith.subi %div3A_93, %sub3A_109 : i32
    %select_n3A_111 = arith.select %and3A, %sub3A_110, %div3A_93 : i32
    %iota3A_112 = tpu.iota {dimensions = array<i32: 1>} : vector<2048x16xi32>
    %mul3A_113 = arith.constant 4 : i32
    %mul3A_114 = vector.broadcast %mul3A_113 : i32 to vector<2048x1xi32>
    %mul3A_115 = arith.muli %broadcast_in_dim3A_19, %mul3A_114 : vector<2048x1xi32>
    %add3A_116 = vector.broadcast %select_n3A_111 : i32 to vector<2048x1xi32>
    %add3A_117 = arith.addi %mul3A_115, %add3A_116 : vector<2048x1xi32>
    %eq3A_118 = vector.broadcast %add3A_117 : vector<2048x1xi32> to vector<2048x16xi32>
    %eq3A_119 = arith.cmpi eq, %iota3A_112, %eq3A_118 : vector<2048x16xi32>
    %jit3A_120 = arith.constant 0.000000e+00 : f32
    %broadcast_in_dim3A_121 = vector.shape_cast %mul3A_91 : vector<2048x1xf32> to vector<2048x1xf32>
    %broadcast_in_dim3A_122 = vector.broadcast %broadcast_in_dim3A_121 : vector<2048x1xf32> to vector<2048x16xf32>
    %broadcast_in_dim3A_123 = vector.broadcast %jit3A_120 : f32 to vector<2048x16xf32>
    %select_n3A_124 = arith.select %eq3A_119, %broadcast_in_dim3A_122, %broadcast_in_dim3A_123 : vector<2048x16xi1>, vector<2048x16xf32>
    %get3A_125 = arith.constant 0 : index
    %get3A_126 = arith.constant 0 : index
    %get3A_127 = vector.load %arg3[%get3A_125, %get3A_126] : memref<16x1024xf32, #tpu.memory_space<vmem>>, vector<16x1024xf32>
    %dot_general3A_128 = arith.constant dense<0.000000e+00> : vector<16x1024xf32>
    %dot_general3A_129 = tpu.matmul %select_n3A_124, %get3A_3, %dot_general3A_128 {dimension_numbers = #tpu.dot_dimension_numbers<[0], [0], [1], [1], [0, 1, 1, 1], [], []>, transpose_lhs_hint = false} : vector<2048x16xf32>, vector<2048x1024xf32>, vector<16x1024xf32> -> vector<16x1024xf32>
    %add3A_130 = arith.addf %get3A_127, %dot_general3A_129 : vector<16x1024xf32>
    %swap3A = arith.constant 0 : index
    %swap3A_131 = arith.constant 0 : index
    %swap3A_132 = vector.load %arg3[%swap3A, %swap3A_131] : memref<16x1024xf32, #tpu.memory_space<vmem>>, vector<16x1024xf32>
    tpu.vector_store %arg3[%swap3A, %swap3A_131], %add3A_130 {strides = array<i32>} : memref<16x1024xf32, #tpu.memory_space<vmem>>, vector<16x1024xf32>,
    %get3A_133 = arith.constant 0 : index
    %get3A_134 = arith.constant 0 : index
    %get3A_135 = vector.load %arg4[%get3A_133, %get3A_134] : memref<8x128xf32, #tpu.memory_space<vmem>>, vector<1x3xf32>
    %reduce_sum3A_136 = arith.constant dense<0.000000e+00> : vector<3xf32>
    %reduce_sum3A_137 = vector.multi_reduction <add>, %div3A_12, %reduce_sum3A_136 [0] : vector<2048x3xf32> to vector<3xf32>
    %broadcast_in_dim3A_138 = vector.shape_cast %reduce_sum3A_137 : vector<3xf32> to vector<1x3xf32>
    %add3A_139 = arith.addf %get3A_135, %broadcast_in_dim3A_138 : vector<1x3xf32>
    %swap3A_140 = arith.constant 0 : index
    %swap3A_141 = arith.constant 0 : index
    %swap3A_142 = vector.load %arg4[%swap3A_140, %swap3A_141] : memref<8x128xf32, #tpu.memory_space<vmem>>, vector<1x3xf32>
    tpu.vector_store %arg4[%swap3A_140, %swap3A_141], %add3A_139 {strides = array<i32>} : memref<8x128xf32, #tpu.memory_space<vmem>>, vector<1x3xf32>,
    %get3A_143 = arith.constant 1 : index
    %get3A_144 = arith.constant 0 : index
    %get3A_145 = vector.load %arg4[%get3A_143, %get3A_144] : memref<8x128xf32, #tpu.memory_space<vmem>>, vector<1x3xf32>
    %slice3A_146 = vector.extract_strided_slice %add3A_78 {offsets = [2047, 0], sizes = [1, 3], strides = [1, 1]} : vector<2048x3xf32> to vector<1x3xf32>
    %add3A_147 = arith.addf %get3A_145, %slice3A_146 : vector<1x3xf32>
    %swap3A_148 = arith.constant 1 : index
    %swap3A_149 = arith.constant 0 : index
    %swap3A_150 = vector.load %arg4[%swap3A_148, %swap3A_149] : memref<8x128xf32, #tpu.memory_space<vmem>>, vector<1x3xf32>
    tpu.vector_store %arg4[%swap3A_148, %swap3A_149], %add3A_147 {strides = array<i32>} : memref<8x128xf32, #tpu.memory_space<vmem>>, vector<1x3xf32>,
    %add3A_151 = arith.constant 4 : i32
    %add3A_152 = arith.addi %add3A_151, %select_n3A_111 : i32
    %get3A_153 = arith.index_cast %add3A_152 : i32 to index
    %get3A_154 = arith.constant 0 : index
    %get3A_155 = vector.load %arg4[%get3A_153, %get3A_154] : memref<8x128xf32, #tpu.memory_space<vmem>>, vector<1x3xf32>
    %mul3A_156 = vector.broadcast %mul3A_91 : vector<2048x1xf32> to vector<2048x3xf32>
    %mul3A_157 = arith.mulf %convert_element_type3A_23, %mul3A_156 : vector<2048x3xf32>
    %reduce_sum3A_158 = arith.constant dense<0.000000e+00> : vector<3xf32>
    %reduce_sum3A_159 = vector.multi_reduction <add>, %mul3A_157, %reduce_sum3A_158 [0] : vector<2048x3xf32> to vector<3xf32>
    %broadcast_in_dim3A_160 = vector.shape_cast %reduce_sum3A_159 : vector<3xf32> to vector<1x3xf32>
    %add3A_161 = arith.addf %get3A_155, %broadcast_in_dim3A_160 : vector<1x3xf32>
    %swap3A_162 = arith.index_cast %add3A_152 : i32 to index
    %swap3A_163 = arith.constant 0 : index
    %swap3A_164 = vector.load %arg4[%swap3A_162, %swap3A_163] : memref<8x128xf32, #tpu.memory_space<vmem>>, vector<1x3xf32>
    tpu.vector_store %arg4[%swap3A_162, %swap3A_163], %add3A_161 {strides = array<i32>} : memref<8x128xf32, #tpu.memory_space<vmem>>, vector<1x3xf32>,
    return
  }
  func.func @transform_0(%arg0: i32) -> (i32, i32) {
    %c0_i32 = arith.constant 0 : i32
    %c0_i32_0 = arith.constant 0 : i32
    return %arg0, %c0_i32 : i32, i32
  }
  func.func @transform_1(%arg0: i32) -> (i32, i32) {
    %c0_i32 = arith.constant 0 : i32
    %c0_i32_0 = arith.constant 0 : i32
    %c0_i32_1 = arith.constant 0 : i32
    return %c0_i32, %c0_i32_0 : i32, i32
  }
  func.func @transform_2(%arg0: i32) -> (i32, i32) {
    %c0_i32 = arith.constant 0 : i32
    %c0_i32_0 = arith.constant 0 : i32
    %c0_i32_1 = arith.constant 0 : i32
    return %c0_i32, %c0_i32_0 : i32, i32
  }
  func.func @transform_3(%arg0: i32) -> (i32, i32) {
    %c0_i32 = arith.constant 0 : i32
    %c0_i32_0 = arith.constant 0 : i32
    %c0_i32_1 = arith.constant 0 : i32
    return %c0_i32, %c0_i32_0 : i32, i32
  }
}

module attributes {stable_mosaic.version = 14 : i64} {
  func.func @_finalize_body(%arg0: memref<16x1024xf32, #tpu.memory_space<vmem>>, %arg1: memref<8x128xf32, #tpu.memory_space<vmem>>, %arg2: memref<3x1024x1024xf32, #tpu.memory_space<vmem>>, %arg3: memref<3x1024xf32, #tpu.memory_space<vmem>>, %arg4: memref<1024x4096xf32, #tpu.memory_space<vmem>>, %arg5: memref<1x4096xf32, #tpu.memory_space<vmem>>, %arg6: memref<4x6144xf32, #tpu.memory_space<vmem>>, %arg7: memref<4x4096xf32, #tpu.memory_space<vmem>>, %arg8: memref<1x1xf32, #tpu.memory_space<vmem>>) attributes {dimension_semantics = [], scalar_prefetch = 0 : i64, scratch_operands = 0 : i64, tpu.core_type = #tpu.core_type<tc>} {
    %get3A = arith.constant 0 : index
    %get3A_0 = arith.constant 0 : index
    %get3A_1 = vector.load %arg0[%get3A, %get3A_0] : memref<16x1024xf32, #tpu.memory_space<vmem>>, vector<16x1024xf32>
    %broadcast_in_dim3A = arith.constant 0.000000e+00 : f32
    %broadcast_in_dim3A_2 = vector.broadcast %broadcast_in_dim3A : f32 to vector<4x1024xf32>
    %slice3A = vector.extract_strided_slice %get3A_1 {offsets = [0, 0], sizes = [4, 1024], strides = [1, 1]} : vector<16x1024xf32> to vector<4x1024xf32>
    %get3A_3 = arith.constant 0 : index
    %get3A_4 = arith.constant 0 : index
    %get3A_5 = arith.constant 0 : index
    %get3A_6 = vector.load %arg2[%get3A_3, %get3A_4, %get3A_5] : memref<3x1024x1024xf32, #tpu.memory_space<vmem>>, vector<1x1024x1024xf32>
    %get3A_7 = vector.shape_cast %get3A_6 : vector<1x1024x1024xf32> to vector<1024x1024xf32>
    %dot_general3A = arith.constant dense<0.000000e+00> : vector<4x1024xf32>
    %dot_general3A_8 = tpu.matmul %slice3A, %get3A_7, %dot_general3A {dimension_numbers = #tpu.dot_dimension_numbers<[1], [0], [0], [1], [0, 0, 1, 1], [], []>, transpose_lhs_hint = false} : vector<4x1024xf32>, vector<1024x1024xf32>, vector<4x1024xf32> -> vector<4x1024xf32>
    %add3A = arith.addf %broadcast_in_dim3A_2, %dot_general3A_8 : vector<4x1024xf32>
    %slice3A_9 = vector.extract_strided_slice %get3A_1 {offsets = [4, 0], sizes = [4, 1024], strides = [1, 1]} : vector<16x1024xf32> to vector<4x1024xf32>
    %get3A_10 = arith.constant 1 : index
    %get3A_11 = arith.constant 0 : index
    %get3A_12 = arith.constant 0 : index
    %get3A_13 = vector.load %arg2[%get3A_10, %get3A_11, %get3A_12] : memref<3x1024x1024xf32, #tpu.memory_space<vmem>>, vector<1x1024x1024xf32>
    %get3A_14 = vector.shape_cast %get3A_13 : vector<1x1024x1024xf32> to vector<1024x1024xf32>
    %dot_general3A_15 = arith.constant dense<0.000000e+00> : vector<4x1024xf32>
    %dot_general3A_16 = tpu.matmul %slice3A_9, %get3A_14, %dot_general3A_15 {dimension_numbers = #tpu.dot_dimension_numbers<[1], [0], [0], [1], [0, 0, 1, 1], [], []>, transpose_lhs_hint = false} : vector<4x1024xf32>, vector<1024x1024xf32>, vector<4x1024xf32> -> vector<4x1024xf32>
    %add3A_17 = arith.addf %add3A, %dot_general3A_16 : vector<4x1024xf32>
    %slice3A_18 = vector.extract_strided_slice %get3A_1 {offsets = [8, 0], sizes = [4, 1024], strides = [1, 1]} : vector<16x1024xf32> to vector<4x1024xf32>
    %get3A_19 = arith.constant 2 : index
    %get3A_20 = arith.constant 0 : index
    %get3A_21 = arith.constant 0 : index
    %get3A_22 = vector.load %arg2[%get3A_19, %get3A_20, %get3A_21] : memref<3x1024x1024xf32, #tpu.memory_space<vmem>>, vector<1x1024x1024xf32>
    %get3A_23 = vector.shape_cast %get3A_22 : vector<1x1024x1024xf32> to vector<1024x1024xf32>
    %dot_general3A_24 = arith.constant dense<0.000000e+00> : vector<4x1024xf32>
    %dot_general3A_25 = tpu.matmul %slice3A_18, %get3A_23, %dot_general3A_24 {dimension_numbers = #tpu.dot_dimension_numbers<[1], [0], [0], [1], [0, 0, 1, 1], [], []>, transpose_lhs_hint = false} : vector<4x1024xf32>, vector<1024x1024xf32>, vector<4x1024xf32> -> vector<4x1024xf32>
    %add3A_26 = arith.addf %add3A_17, %dot_general3A_25 : vector<4x1024xf32>
    %get3A_27 = arith.constant 4 : index
    %get3A_28 = arith.constant 0 : index
    %get3A_29 = vector.load %arg1[%get3A_27, %get3A_28] : memref<8x128xf32, #tpu.memory_space<vmem>>, vector<4x3xf32>
    %get3A_30 = arith.constant 0 : index
    %get3A_31 = arith.constant 0 : index
    %get3A_32 = vector.load %arg3[%get3A_30, %get3A_31] : memref<3x1024xf32, #tpu.memory_space<vmem>>, vector<3x1024xf32>
    %dot_general3A_33 = arith.constant dense<0.000000e+00> : vector<4x1024xf32>
    %dot_general3A_34 = tpu.matmul %get3A_29, %get3A_32, %dot_general3A_33 {dimension_numbers = #tpu.dot_dimension_numbers<[1], [0], [0], [1], [0, 0, 1, 1], [], []>, transpose_lhs_hint = false} : vector<4x3xf32>, vector<3x1024xf32>, vector<4x1024xf32> -> vector<4x1024xf32>
    %add3A_35 = arith.addf %add3A_26, %dot_general3A_34 : vector<4x1024xf32>
    %get3A_36 = arith.constant 0 : index
    %get3A_37 = arith.constant 0 : index
    %get3A_38 = vector.load %arg4[%get3A_36, %get3A_37] : memref<1024x4096xf32, #tpu.memory_space<vmem>>, vector<1024x4096xf32>
    %dot_general3A_39 = arith.constant dense<0.000000e+00> : vector<4x4096xf32>
    %dot_general3A_40 = tpu.matmul %add3A_35, %get3A_38, %dot_general3A_39 {dimension_numbers = #tpu.dot_dimension_numbers<[1], [0], [0], [1], [0, 0, 1, 1], [], []>, transpose_lhs_hint = false} : vector<4x1024xf32>, vector<1024x4096xf32>, vector<4x4096xf32> -> vector<4x4096xf32>
    %get3A_41 = arith.constant 0 : index
    %get3A_42 = arith.constant 0 : index
    %get3A_43 = vector.load %arg5[%get3A_41, %get3A_42] : memref<1x4096xf32, #tpu.memory_space<vmem>>, vector<1x4096xf32>
    %mul3A = arith.constant 6.144000e+03 : f32
    %mul3A_44 = vector.broadcast %mul3A : f32 to vector<1x4096xf32>
    %mul3A_45 = arith.mulf %mul3A_44, %get3A_43 : vector<1x4096xf32>
    %add3A_46 = vector.broadcast %mul3A_45 : vector<1x4096xf32> to vector<4x4096xf32>
    %add3A_47 = arith.addf %dot_general3A_40, %add3A_46 : vector<4x4096xf32>
    %get3A_48 = arith.constant 0 : index
    %get3A_49 = arith.constant 0 : index
    %get3A_50 = vector.load %arg6[%get3A_48, %get3A_49] : memref<4x6144xf32, #tpu.memory_space<vmem>>, vector<4x6144xf32>
    %reduce_sum3A = arith.constant dense<0.000000e+00> : vector<4xf32>
    %reduce_sum3A_51 = vector.multi_reduction <add>, %get3A_50, %reduce_sum3A [1] : vector<4x6144xf32> to vector<4xf32>
    %broadcast_in_dim3A_52 = vector.shape_cast %reduce_sum3A_51 : vector<4xf32> to vector<4x1xf32>
    %sub3A = arith.constant 6.144000e+03 : f32
    %sub3A_53 = vector.broadcast %sub3A : f32 to vector<4x1xf32>
    %sub3A_54 = arith.subf %sub3A_53, %broadcast_in_dim3A_52 : vector<4x1xf32>
    %max3A = arith.constant 1.000000e+00 : f32
    %max3A_55 = vector.broadcast %max3A : f32 to vector<4x1xf32>
    %max3A_56 = arith.maximumf %sub3A_54, %max3A_55 : vector<4x1xf32>
    %div3A = vector.broadcast %max3A_56 : vector<4x1xf32> to vector<4x4096xf32>
    %div3A_57 = arith.divf %add3A_47, %div3A : vector<4x4096xf32>
    %swap3A = arith.constant 0 : index
    %swap3A_58 = arith.constant 0 : index
    %swap3A_59 = vector.load %arg7[%swap3A, %swap3A_58] : memref<4x4096xf32, #tpu.memory_space<vmem>>, vector<4x4096xf32>
    tpu.vector_store %arg7[%swap3A, %swap3A_58], %div3A_57 {strides = array<i32>} : memref<4x4096xf32, #tpu.memory_space<vmem>>, vector<4x4096xf32>,
    %get3A_60 = arith.constant 0 : index
    %get3A_61 = arith.constant 0 : index
    %get3A_62 = vector.load %arg1[%get3A_60, %get3A_61] : memref<8x128xf32, #tpu.memory_space<vmem>>, vector<1x3xf32>
    %get3A_63 = arith.constant 1 : index
    %get3A_64 = arith.constant 0 : index
    %get3A_65 = vector.load %arg1[%get3A_63, %get3A_64] : memref<8x128xf32, #tpu.memory_space<vmem>>, vector<1x3xf32>
    %mul3A_66 = arith.mulf %get3A_62, %get3A_65 : vector<1x3xf32>
    %reduce_sum3A_67 = vector.shape_cast %mul3A_66 : vector<1x3xf32> to vector<1x1x3xf32>
    %reduce_sum3A_68 = arith.constant dense<0.000000e+00> : vector<1xf32>
    %reduce_sum3A_69 = vector.multi_reduction <add>, %reduce_sum3A_67, %reduce_sum3A_68 [1, 2] : vector<1x1x3xf32> to vector<1xf32>
    %reduce_sum3A_70 = vector.shape_cast %reduce_sum3A_69 : vector<1xf32> to vector<1x1x1xf32>
    %reduce_sum3A_71 = vector.extract %reduce_sum3A_70[0, 0, 0] : f32 from vector<1x1x1xf32>
    %mul3A_72 = arith.constant 4.96705388E-9 : f32
    %mul3A_73 = arith.mulf %mul3A_72, %reduce_sum3A_71 : f32
    %broadcast_in_dim3A_74 = vector.broadcast %mul3A_73 : f32 to vector<1x1xf32>
    %swap3A_75 = arith.constant 0 : index
    %swap3A_76 = arith.constant 0 : index
    %swap3A_77 = vector.load %arg8[%swap3A_75, %swap3A_76] : memref<1x1xf32, #tpu.memory_space<vmem>>, vector<1x1xf32>
    tpu.vector_store %arg8[%swap3A_75, %swap3A_76], %broadcast_in_dim3A_74 {strides = array<i32>} : memref<1x1xf32, #tpu.memory_space<vmem>>, vector<1x1xf32>,
    return
  }
}

</mosaic_0001>

<sc_bundles>
// kernel: sparse-core-data-format-call.cloned.1.call-start
scs
called_computation_lowered:
.L_overlay_start_0:
0x0: {  	s2 =	sld [smem:$0x3FD9]  }
0x1: {  	s3 =	sld [smem:$0x3FFE];
	_ =	sdelay $0x1  }
0x2: {  	s1 =	srdreg.scid  }
0x3: {  	s0 =	sand.u32 $0x1, s1  }
0x4: {  	s18 =	sshll.u32 s0, $0xA;
	s2 =	sadd.s32 s3, s2  }
0x5: {  	s2 =	sadd.s32 s2, s18  }
0x6: {  	[smem:$0x3FC1] =	sst s2  }
0x7: {  	_ = 	snop  }
0x8: {  	s2 =	sld [smem:$0x3FC9];
	(tm) =	ssettm $0x1  }
0x9: {  	s19 =	sld [smem:$0x3FFB];
	_ =	sdelay $0x3  }
0xa: {  	_ =	strace s19  }
0xb: {  	s3 =	sld [smem:$0x3FFC];
	_ =	sdelay $0x3  }
0xc: {  	_ =	strace s3  }
0xd: {  	s3 =	sld [smem:$0x3FFD];
	_ =	sdelay $0x3  }
0xe: {  	_ =	strace s3  }
0xf: {  	_ =	strace $0x8FFFFFFF  }
0x10: {  	s20 =	sld [smem:$0x3FDB];
	_ =	sdelay $0x1  }
0x11: {  	s4 =	simm.s32 $_scs_section_size  }
0x12: {  	s5 =	simm.s32 $_size__tile_overlayer_lowered;
	s6 =	simm.s32 $_tile_overlayer_lowered  }
0x13: {  	s23 =	simm.s32 $0x1BFF;
	s22 =	sshll.u32 s6, $0x1;
	s3 =	sadd.s32 s4, s20  }
0x14: {  	s7 =	simm.s32 $0x0;
	s21 =	sshll.u32 s5, $0x1;
	s5 =	sadd.s32 s22, s3  }
0x15: {  	[timem:s7], [sflag:s23] =	dma.local [hbm:s5], s21  }
0x16: {  	_ =	swait.ge [sflag:s23], s21  }
0x17: {  	s4 =	ssub.s32 $0x0, s21;
	[sflag:s23] =	ssyncset.done $0x0  }
0x18: {  	[sflag:s23] =	ssyncadd.s32 s4;
	_ =	sdelay $0x1  }
0x19: {  	s24 =	simm.s32 $0x1B8B  }
0x1a: {  	_ =	swait.ge [sflag:s24], $0x1  }
0x1b: {  	[sflag:s24] =	ssyncset.done $0x0  }
0x1c: {  	s26 =	simm.s32 $0x1B8E;
	s25 =	sld [smem:$0x3FFE];
	[sflag:s24] =	ssyncadd.s32 $0xFFFFFFFF  }
0x1d: {  	s27 =	simm.s32 $execute0_lowered;
	[smem:$0x3FD2] =	sst s26  }
0x1e: {  	s5 =	sshll.u32 s27, $0x1;
	_ =	strace $0x80000046;
	[dreg:$0x1] =	wrdreg $0xFFFFFFFF  }
0x1f: {  	s28 =	simm.s32 $_size_execute0_lowered;
	s3 =	sadd.s32 s3, s5;
	[dreg:$0x0] =	wrdreg $0x0  }
0x20: {  	s5 =	sshll.u32 s28, $0x1;
	[dreg:$0x2] =	wrdreg s3  }
0x21: {  	[dreg:$0x3] =	wrdreg s5  }
0x22: {  	[dreg:$0x4] =	wrdreg $0xC0  }
0x23: {  	_ =	task [dreg:s7], $0x5FFFF  }
0x24: {  	[dreg:$0x1] =	wrdreg $0xFFFFFFFF  }
0x25: {  	[dreg:$0x0] =	wrdreg $0x60  }
0x26: {  	[dreg:$0x2] =	wrdreg s2  }
0x27: {  	[dreg:$0x3] =	wrdreg s25  }
0x28: {  	[dreg:$0x4] =	wrdreg $0x9  }
0x29: {  	_ =	task.clear_ibuf [dreg:s7], $0x5FFFF;
	_ =	strace $0x90000046  }
0x2a: {  	s29 =	simm.s32 $0x9;
	_ =	strace $0x80000048  }
0x2b: {  	_ =	swait.ge [sflag:s29], $0x1  }
0x2c: {  	[sflag:s29] =	ssyncadd.s32 $0xFFFFFFFF  }
0x2d: {  	_ =	strace $0x90000048  }
0x2e: {  	_ =	sfence  }
0x2f: {  	s30 =	sld [smem:$0x0];
	_ =	sdelay $0x2  }
0x30: {  	s31 =	sshll.u32 s1, $0xD;
	s1 =	sshrl.u32 s1, $0x2  }
0x31: {  	s3 =	sand.u32 $0x4000, s31;
	s1 =	sadd.s32 s1, s30  }
0x32: {  	s0 =	sor.u32 s3, s0;
	s1 =	sshll.u32 s1, $0x11  }
0x33: {  	s0 =	sor.u32 s1, s0  }
0x34: {  	s0 =	sadd.s32 $0x8F2B, s0  }
0x35: {  	[sflag:s0] =	ssyncadd.remote.s32 $0x1  }
0x36: {  	_ =	sfence.sel $0xFFFF  }
0x37: {  	[dreg:$0x0] =	wrdreg $0xFFFFFFFF;
	(pc) =	sbr.abs _section_cstart, $3  }
0x38: {  	[dreg:$0x1] =	wrdreg $0xFFFFFFFF  }
0x39: {  	_ =	task.clear_ibuf [dreg:s7], $0x2FFFF;
	_ =	strace $0x9FFFFFFF  }
0x3a: {  	(tm) =	ssettm $0x7FFFFFFF  }
0x3b: {  	_ =	shalt  }
tec
execute0_lowered:
.L_overlay_start_1:
0x0: {  	(tag) =	ssettag $0x1  }
0x1: {  	s0 =	stileid.u32;
	s3 =	rddreg [dreg:$0x0]  }
0x2: {  	s1 =	srdreg.scid;
	s6 =	rddreg [dreg:$0x1]  }
0x3: {  	s8 =	simm.s32 $0x2;
	s2 =	sshll.u32 s0, $0x5;
	s1 =	sshll.u32 s1, $0x9  }
0x4: {  	s16 =	simm.s32 $0x0;
	s9 =	simm.s32 $0x1000;
	s1 =	sor.u32 s2, s1  }
0x5: {  	s10 =	simm.s32 $0x0;
	s17 =	simm.s32 $0x0;
	s2 =	sand.u32 $0x380, s1  }
0x6: {  	s19 =	simm.s32 $0x0;
	s18 =	simm.s32 $0x0;
	s1 =	ssub.s32 $0x800, s2  }
0x7: {  	s11 =	simm.s32 $0x0;
	s13 =	simm.s32 $0x0;
	s4 =	sand.u32 $0x380, s1  }
0x8: {  	s15 =	simm.s32 $0x0;
	p0 =	sne.s32 s4, $0x0;
	s4 =	simm.s32 $0x1  }
.Ltmp0:
0x9: {  	s5 =	sshrl.u32 s1, $0xA;
	s4 =	simm.s32 @!p0 $0x0;
	(pc) =	sbr.rel .LBB1_1-.Ltmp0, $4  }
0xa: {  	s7 =	sand.u32 $0x3, s0;
	s1 =	rddreg [dreg:$0x2];
	s5 =	sadd.s32 s4, s5  }
0xb: {  	_ =	strace $0x80000047;
	s4 =	simm.s32 $0x1;
	s5 =	smul.u32 $0x18, s5  }
0xc: {  	s6 =	sadd.s32 $0x1200, s6;
	s14 =	smov.u32 s7;
	[sflag:s4] =	ssyncpa.u1 $0x0  }
0xd: {  	s12 =	smov.u32 s2;
	[sflag:s8] =	ssyncpa.u1 $0x0;
	s8 =	sor.u32 $0x1, s5  }
.LBB1_4:
0xe: {  	_ =	sdelay $0x3  }
0xf: {  	[tilespmem:v0+s22+$0xFFFFFFA0 ss:$0x1] =	vst.idx.msk $0xffff, v6  }
0x10: {  	v56 =	vld.idx.msk [tilespmem:v1+s21+$0x30 ss:$0x1], $0xffff;
	[tilespmem:v0+s22+$0xFFFFFFB0 ss:$0x1] =	vst.idx.msk $0xffff, v4  }
0x11: {  	v57 =	vld.idx.msk [tilespmem:v1+s21+$0xFFFFFFC0 ss:$0x1], $0xffff;
	[tilespmem:v0+s22+$0xFFFFFFC0 ss:$0x1] =	vst.idx.msk $0xffff, v2  }
0x12: {  	v58 =	vld.idx.msk [tilespmem:v1+s21+$0xFFFFFFD0 ss:$0x1], $0xffff;
	[tilespmem:v0+s22+$0xFFFFFFD0 ss:$0x1] =	vst.idx.msk $0xffff, v3  }
0x13: {  	v59 =	vld.idx.msk [tilespmem:v1+s21+$0xFFFFFFE0 ss:$0x1], $0xffff;
	[tilespmem:v0+s22+$0xFFFFFFE0 ss:$0x1] =	vst.idx.msk $0xffff, v5  }
0x14: {  	v60 =	vld.idx.msk [tilespmem:v1+s21+$0xFFFFFFF0 ss:$0x1], $0xffff;
	[tilespmem:v0+s22+$0xFFFFFFF0 ss:$0x1] =	vst.idx.msk $0xffff, v7  }
0x15: {  	v61 =	vld.idx.msk [tilespmem:v1+s21+$0x0 ss:$0x1], $0xffff;
	[tilespmem:v0+s21+$0x0 ss:$0x1] =	vst.idx.msk $0xffff, v56  }
0x16: {  	s19 =	sshll.u32 s19, $0x7;
	v62 =	vld.idx.msk [tilespmem:v1+s21+$0x10 ss:$0x1], $0xffff;
	s27 =	sand.u32 $0x78, s16;
	[tilespmem:v0+s21+$0xFFFFFF90 ss:$0x1] =	vst.idx.msk $0xffff, v57  }
0x17: {  	s23 =	sshll.u32 s16, $0x2;
	v63 =	vld.idx.msk [tilespmem:v1+s21+$0x20 ss:$0x1], $0xffff;
	s18 =	sshll.u32 s18, $0x14;
	s17 =	sshll.u32 s17, $0x9;
	[tilespmem:v0+s21+$0xFFFFFFA0 ss:$0x1] =	vst.idx.msk $0xffff, v58  }
0x18: {  	s29 =	sshrl.u32 s16, $0x1;
	s30 =	sand.u32 $0x7, s16;
	s19 =	sand.u32 $0x180, s19;
	[tilespmem:v0+s21+$0xFFFFFFB0 ss:$0x1] =	vst.idx.msk $0xffff, v59  }
0x19: {  	s28 =	sand.u32 $0x200, s23;
	s18 =	sadd.s32 s6, s18;
	s19 =	sor.u32 s19, s27;
	[tilespmem:v0+s21+$0xFFFFFFC0 ss:$0x1] =	vst.idx.msk $0xffff, v60  }
0x1a: {  	s22 =	sand.u32 $0x180, s29;
	s17 =	sadd.s32 s17, s18;
	s19 =	sor.u32 s28, s19;
	[tilespmem:v0+s21+$0xFFFFFFD0 ss:$0x1] =	vst.idx.msk $0xffff, v61  }
0x1b: {  	s16 =	sshll.u32 s30, $0x12;
	s17 =	sadd.s32 s22, s17;
	s31 =	sshrl.u32 s19, $0x3;
	[tilespmem:v0+s21+$0xFFFFFFE0 ss:$0x1] =	vst.idx.msk $0xffff, v62  }
0x1c: {  	s16 =	sor.u32 $0x80, s16;
	[tilespmem:v0+s21+$0xFFFFFFF0 ss:$0x1] =	vst.idx.msk $0xffff, v63;
	s17 =	sadd.s32 s31, s17  }
0x1d: {  	[hbm4b:s17+s16] =	stream.strided.scatter [tilespmem:s20], [sflag:$0x2], $0x4000, s9, s16, $0x38;
	[tilespmem:$0x10000] =	vst v63  }
.LBB1_5:
0x1e: {  	s20 =	sadd.s32 $0x80, s11  }
0x1f: {  	s16 =	sadd.s32 $0x400, s12;
	s21 =	smov.u32 s12;
	p1 =	sgt.s32 s20, $0x3FF  }
0x20: {  	s21 =	smov.u32 @p1 s16  }
0x21: {  	s16 =	simm.s32 $0x1;
	p2 =	sgt.s32 s21, $0x7FF  }
0x22: {  	s16 =	simm.s32 @!p2 $0x0  }
0x23: {  	s22 =	sadd.s32 s16, s13  }
0x24: {  	s23 =	smov.u32 s14;
	s16 =	sadd.s32 $0x4, s14;
	p3 =	sgt.s32 s22, $0x2  }
0x25: {  	p0 =	slt.u32 s15, $0x2;
	s23 =	smov.u32 @p3 s16  }
0x26: {  	s17 =	smov.u32 s12;
	s20 =	simm.s32 @p1 $0x0;
	p1 =	sgt.s32 s23, $0x3  }
0x27: {  	s24 =	simm.s32 @!p0 $0x2;
	s23 =	smov.u32 @p1 s7;
	p1 =	sne.s32 s15, s8  }
.Ltmp1:
0x28: {  	s19 =	smov.u32 s13;
	_ =	swait.ge @!p0 [sflag:s24], $0x4000;
	(pc) =	sbr.rel @!p1 .LBB1_6-.Ltmp1, $4  }
0x29: {  	s18 =	smov.u32 s14;
	[sflag:s24] =	ssyncset.done @!p0 $0x0;
	s21 =	smov.u32 @p2 s2  }
0x2a: {  	s10 =	sadd.s32 $0x4000, s10;
	[sflag:s24] =	ssyncadd.s32 @!p0 $0xFFFFC000;
	s12 =	smov.u32 s21  }
0x2b: {  	s22 =	simm.s32 @p3 $0x0;
	s16 =	smov.u32 s11;
	s11 =	smov.u32 s20  }
0x2c: {  	s13 =	smov.u32 s22;
	s15 =	sadd.s32 $0x1, s15;
	s14 =	smov.u32 s23  }
.LBB1_1:
0x2d: {  	p0 =	sge.u32 s15, s5;
	s31 =	sadd.s32 $0xFFFFFFFF, s15  }
0x2e: {  	s20 =	sxor.u32 @!p0 $0xFFFFFFFF, s15;
	s21 =	sshll.u32 @!p0 s12, $0x7;
	s22 =	sand.u32 @!p0 $0x78, s11  }
0x2f: {  	s24 =	smul.u32 @!p0 $0xC0000, s14;
	s20 =	sshll.u32 @!p0 s20, $0xE;
	s23 =	sand.u32 @!p0 $0x380, s21  }
0x30: {  	s21 =	sand.u32 @!p0 $0x3FC00, s21;
	s20 =	sand.u32 @!p0 $0x4000, s20;
	s22 =	sor.u32 @!p0 s22, s23  }
0x31: {  	s21 =	sadd.s32 @!p0 s11, s21;
	s23 =	sshll.u32 @!p0 s13, $0x12;
	s24 =	sadd.s32 @!p0 s3, s24  }
0x32: {  	s22 =	sshrl.u32 @!p0 s22, $0x3;
	s23 =	sadd.s32 @!p0 s23, s24;
	s24 =	sand.u32 @!p0 $0x7, s11  }
0x33: {  	s21 =	sand.u32 @!p0 $0x3FF80, s21;
	s22 =	sadd.s32 @!p0 s22, s23;
	s23 =	sshll.u32 @!p0 s24, $0x12  }
0x34: {  	s21 =	sadd.s32 @!p0 s21, s22;
	s22 =	sor.u32 @!p0 $0x400, s23;
	s23 =	simm.s32 @!p0 $0x2000  }
0x35: {  	[tilespmem:s20], [sflag:$0x1] =	stream.strided.gather @!p0 [hbm4b:s21+s22], $0x4000, s23, s22, $0x38;
	[tilespmem:$0x10000] =	vst v63  }
0x36: {  	p0 =	sge.u32 s31, s5  }
.Ltmp2:
0x37: {  	_ = 	snop;
	(pc) =	sbr.rel @p0 .LBB1_5-.Ltmp2, $1  }
0x38: {  	_ =	sdelay $0x3  }
0x39: {  	s20 =	sand.u32 $0x4000, s10  }
0x3a: {  	s21 =	sor.u32 $0x40, s20  }
0x3b: {  	v1 =	vmov s21;
	_ =	sdelay $0x1  }
0x3c: {  	_ =	swait.ge [sflag:s4], $0x4000  }
0x3d: {  	[sflag:s4] =	ssyncset.done $0x0  }
0x3e: {  	s22 =	simm.s32 $0x0;
	[sflag:s4] =	ssyncadd.s32 $0xFFFFC000  }
0x3f: {  	s20 =	sor.u32 $0x8070, s20;
	v7 =	vld.idx.msk [tilespmem:v1+s22+$0x30 ss:$0x1], $0xffff  }
0x40: {  	v0 =	vmov s20;
	v8 =	vld.idx.msk [tilespmem:v1+s22+$0xFFFFFFC0 ss:$0x1], $0xffff  }
0x41: {  	v6 =	vld.idx.msk [tilespmem:v1+s22+$0xFFFFFFD0 ss:$0x1], $0xffff  }
0x42: {  	v4 =	vld.idx.msk [tilespmem:v1+s22+$0xFFFFFFE0 ss:$0x1], $0xffff  }
0x43: {  	v2 =	vld.idx.msk [tilespmem:v1+s22+$0xFFFFFFF0 ss:$0x1], $0xffff  }
0x44: {  	s31 =	sshll.u32 s15, $0xE;
	v3 =	vld.idx.msk [tilespmem:v1+s22+$0x0 ss:$0x1], $0xffff  }
0x45: {  	s20 =	sand.u32 $0x4000, s31;
	v5 =	vld.idx.msk [tilespmem:v1+s22+$0x10 ss:$0x1], $0xffff;
	[tilespmem:v0+s22+$0x0 ss:$0x1] =	vst.idx.msk $0xffff, v7  }
0x46: {  	s23 =	simm.s32 $0x400;
	s21 =	simm.s32 $0x80;
	s20 =	sor.u32 $0x8000, s20;
	[tilespmem:v0+s22+$0xFFFFFF90 ss:$0x1] =	vst.idx.msk $0xffff, v8;
	v7 =	vld.idx.msk [tilespmem:v1+s22+$0x20 ss:$0x1], $0xffff  }
.LBB1_3:
0x47: {  	p0 =	sne.s32 s23, $0xFE00;
	v8 =	vld.idx.msk [tilespmem:v1+s21+$0x30 ss:$0x1], $0xffff;
	[tilespmem:v0+s22+$0xFFFFFFA0 ss:$0x1] =	vst.idx.msk $0xffff, v6  }
0x48: {  	v9 =	vld.idx.msk [tilespmem:v1+s21+$0xFFFFFFC0 ss:$0x1], $0xffff;
	[tilespmem:v0+s22+$0xFFFFFFB0 ss:$0x1] =	vst.idx.msk $0xffff, v4  }
0x49: {  	v6 =	vld.idx.msk [tilespmem:v1+s21+$0xFFFFFFD0 ss:$0x1], $0xffff;
	[tilespmem:v0+s22+$0xFFFFFFC0 ss:$0x1] =	vst.idx.msk $0xffff, v2  }
.Ltmp3:
0x4a: {  	v4 =	vld.idx.msk [tilespmem:v1+s21+$0xFFFFFFE0 ss:$0x1], $0xffff;
	[tilespmem:v0+s22+$0xFFFFFFD0 ss:$0x1] =	vst.idx.msk $0xffff, v3;
	(pc) =	sbr.rel @p0 .LBB1_3-.Ltmp3, $4  }
0x4b: {  	v2 =	vld.idx.msk [tilespmem:v1+s21+$0xFFFFFFF0 ss:$0x1], $0xffff;
	[tilespmem:v0+s22+$0xFFFFFFE0 ss:$0x1] =	vst.idx.msk $0xffff, v5  }
0x4c: {  	v3 =	vld.idx.msk [tilespmem:v1+s21+$0x0 ss:$0x1], $0xffff;
	[tilespmem:v0+s22+$0xFFFFFFF0 ss:$0x1] =	vst.idx.msk $0xffff, v7;
	s22 =	smov.u32 s21  }
0x4d: {  	v5 =	vld.idx.msk [tilespmem:v1+s22+$0x10 ss:$0x1], $0xffff;
	[tilespmem:v0+s22+$0x0 ss:$0x1] =	vst.idx.msk $0xffff, v8  }
0x4e: {  	s21 =	sshra.s32 s23, $0x2;
	s23 =	sadd.s32 $0x200, s23;
	[tilespmem:v0+s22+$0xFFFFFF90 ss:$0x1] =	vst.idx.msk $0xffff, v9;
	v7 =	vld.idx.msk [tilespmem:v1+s22+$0x20 ss:$0x1], $0xffff  }
.Ltmp4:
0x4f: {  	_ = 	snop;
	(pc) =	sbr.rel .LBB1_4-.Ltmp4, $1  }
0x50: {  	_ =	sdelay $0x3  }
.LBB1_6:
0x51: {  	_ =	sfence.sel $0x180000  }
0x52: {  	s2 =	simm.s32 $0x1;
	[bflag:$0x0] =	sbarrier.arrive $0xFFFF  }
0x53: {  	s31 =	simm.s32 $0x2;
	[sflag:s2] =	ssyncpa.u1 $0x1  }
0x54: {  	[sflag:s31] =	ssyncpa.u1 $0x1  }
0x55: {  	p0 =	sne.s32 s0, $0x0;
	_ =	strace $0x90000047  }
0x56: {  	s0 =	sadd.s32 @!p0 $0x100000, s1;
	[bflag:$0x2] =	sbarrier.arrive $0xFFFF  }
0x57: {  	[sflag:s0] =	ssyncadd.tile.s32 @!p0 $0x1;
	_ =	shalt  }
.Lfunc_end1:
_tile_overlayer_lowered:
.L_overlay_start_2:
0x58: {  	(tag) =	ssettag $0x2  }
0x59: {  	s0 =	rddreg [dreg:$0x0];
	s2 =	stileid.u32  }
0x5a: {  	s1 =	rddreg [dreg:$0x1];
	p0 =	sne.s32 s2, $0x0  }
0x5b: {  	s3 =	rddreg [dreg:$0x2];
	[bflag:$0x3] =	sbarrier.arrive $0xFFFF;
	s2 =	simm.s32 @!p0 $0x1C01  }
0x5c: {  	[timem:s3], [sflag:s2] =	dma.local @!p0 [hbm:s0], s1  }
0x5d: {  	s0 =	simm.s32 @!p0 $0x1  }
0x5e: {  	_ =	swait.ge @!p0 [sflag:s0], s1  }
0x5f: {  	s1 =	ssub.s32 @!p0 $0x0, s1;
	[sflag:s0] =	ssyncset.done @!p0 $0x0  }
0x60: {  	[sflag:s0] =	ssyncadd.s32 @!p0 s1  }
0x61: {  	[bflag:$0x3] =	sbarrier.arrive $0xFFFF  }
0x62: {  	_ =	shalt  }

</sc_bundles>
